<compile_context>
chip_gen: v7x
topology: tpu7x:2x2x1
jax: 0.10.2.dev20260603
libtpu: 0.0.44.dev20260713+nightly
codegen_flags: <defaults>
</compile_context>

<pallas_src>
import functools

import jax
import jax.numpy as jnp
from jax import lax
from jax.experimental import pallas as pl
from jax.experimental.pallas import tpu as pltpu
from jax.experimental.pallas import tpu_sc as plsc

_EMBED = 128
_LANES = 16

_mesh = plsc.VectorSubcoreMesh(
    core_axis_name="c", subcore_axis_name="s", num_cores=1, num_subcores=1)


@functools.partial(
    pl.kernel,
    out_type=jax.ShapeDtypeStruct((_LANES,), jnp.float32),
    mesh=_mesh,
    compiler_params=pltpu.CompilerParams(needs_layout_passes=False),
    scratch_types=[
        pltpu.VMEM((_LANES,), jnp.int32),
        pltpu.VMEM((1, _EMBED), jnp.float32),
        pltpu.VMEM((1, _EMBED), jnp.float32),
        pltpu.VMEM((_LANES,), jnp.float32),
        pltpu.SemaphoreType.DMA,
        pltpu.SemaphoreType.DMA,
    ],
)
def _sc_skipgram(idx_hbm, w_hbm, c_hbm, out_hbm,
                 idx_v, wrow_v, crow_v, out_v, sem_w, sem_c):
    cp_idx = pltpu.async_copy(idx_hbm, idx_v, sem_w)
    cp_idx.wait()
    cp_w = pltpu.async_copy(w_hbm.at[idx_v.at[pl.ds(0, 1)]], wrow_v, sem_w)
    cp_c = pltpu.async_copy(c_hbm.at[idx_v.at[pl.ds(8, 1)]], crow_v, sem_c)
    cp_w.wait()
    cp_c.wait()
    acc = jnp.zeros((_LANES,), jnp.float32)
    for j in range(_EMBED // _LANES):
        acc = acc + (wrow_v[0, pl.ds(j * _LANES, _LANES)]
                     * crow_v[0, pl.ds(j * _LANES, _LANES)])
    score = jnp.sum(acc)
    sv = jnp.full((_LANES,), score, jnp.float32)
    out_v[...] = 1.0 / (1.0 + jnp.exp(-sv))
    pltpu.sync_copy(out_v, out_hbm)


def kernel(tgt_word, ctx_word, w, c):
    idx = jnp.zeros((_LANES,), jnp.int32)
    idx = idx.at[0].set(tgt_word.astype(jnp.int32))
    idx = idx.at[8].set(ctx_word.astype(jnp.int32))
    out = _sc_skipgram(idx, w, c)
    return out[0]

# --- scband reference (transcript-rebuilt; emitter-appended) ---
"""Pipeline reference for scband-skip-gram-ns-3564822856180 (READ-ONLY COPY).

The authoritative reference and input builder live on the scoring server;
editing this copy changes nothing except your own understanding.
"""

import jax, jax.numpy as jnp
import numpy as np

VOCAB_SIZE = 1000000
EMBED_SIZE = 128


def _xavier_normal(key, shape):
    fan_out, fan_in = shape
    std = float(np.sqrt(2.0 / (fan_in + fan_out)))
    return jax.random.normal(key, shape, dtype=jnp.float32) * std


def setup_inputs(seed: int = 0) -> dict:
    key = jax.random.key(seed)
    k1, k2, k3, k4 = jax.random.split(key, 4)
    tgt_word = jax.random.randint(k1, (), 0, VOCAB_SIZE, dtype=jnp.int32)
    ctx_word = jax.random.randint(k2, (), 0, VOCAB_SIZE, dtype=jnp.int32)
    # learned parameters: two embedding tables (w: target, c: context), xavier_normal init
    w = _xavier_normal(k3, (VOCAB_SIZE, EMBED_SIZE))
    c = _xavier_normal(k4, (VOCAB_SIZE, EMBED_SIZE))
    return {"tgt_word": tgt_word, "ctx_word": ctx_word, "w": w, "c": c}


def reference(tgt_word, ctx_word, w, c):
    # tgt_emb = self.w(tgt_word)  -> row gather from target embedding table
    tgt_emb = jnp.take(w, tgt_word, axis=0)
    # ctx_emb = self.c(ctx_word)  -> row gather from context embedding table
    ctx_emb = jnp.take(c, ctx_word, axis=0)
    # score = torch.dot(tgt_emb, ctx_emb)
    score = jnp.dot(tgt_emb, ctx_emb)
    # return torch.sigmoid(score)
    return jax.nn.sigmoid(score)

if __name__ == "__main__":
    import jax
    _d = setup_inputs()
    print(jax.jit(kernel)(*tuple(_d.values())))

</pallas_src>

<mosaic_0001>
#map = affine_map<(d0, d1) -> (0)>
#map1 = affine_map<(d0, d1) -> (0, 0)>
module attributes {stable_mosaic.version = 14 : i64} {
  func.func @_sc_skipgram(%arg0: i32, %arg1: i32, %arg2: memref<16xi32, #tpu.memory_space<hbm>>, %arg3: memref<1000000x128xf32, #tpu.memory_space<hbm>>, %arg4: memref<1000000x128xf32, #tpu.memory_space<hbm>>, %arg5: memref<16xf32, #tpu.memory_space<hbm>>, %arg6: memref<16xi32, #tpu.memory_space<vmem>>, %arg7: memref<1x128xf32, #tpu.memory_space<vmem>>, %arg8: memref<1x128xf32, #tpu.memory_space<vmem>>, %arg9: memref<16xf32, #tpu.memory_space<vmem>>, %arg10: memref<!tpu.dma_semaphore, #tpu.memory_space<semaphore_mem>>, %arg11: memref<!tpu.dma_semaphore, #tpu.memory_space<semaphore_mem>>) attributes {dimension_semantics = [#tpu.dimension_semantics<core_parallel>, #tpu.dimension_semantics<subcore_parallel>], iteration_bounds = array<i64: 1, 1>, scalar_prefetch = 0 : i64, scratch_operands = 6 : i64, tpu.core_type = #tpu.core_type<sc_vector_subcore>, window_params = [{transform_indices = #map}, {transform_indices = #map1}, {transform_indices = #map1}, {transform_indices = #map}]} {
    tpu.enqueue_dma source(%arg2 : memref<16xi32, #tpu.memory_space<hbm>>) target(%arg6 : memref<16xi32, #tpu.memory_space<vmem>>) target_semaphore(%arg10 : memref<!tpu.dma_semaphore, #tpu.memory_space<semaphore_mem>>)
    tpu.wait_dma2 semaphore(%arg10 : memref<!tpu.dma_semaphore, #tpu.memory_space<semaphore_mem>>) src(%arg2 : memref<16xi32, #tpu.memory_space<hbm>>) dst(%arg6 : memref<16xi32, #tpu.memory_space<vmem>>)
    %dma_start3A = arith.constant 0 : i32
    %dma_start3A_0 = tpu.memref_slice %arg6[%dma_start3A] : memref<16xi32, #tpu.memory_space<vmem>> -> memref<1xi32, #tpu.memory_space<vmem>>
    %dma_start3A_1 = arith.constant 0 : i32
    %dma_start3A_2 = arith.constant 0 : i32
    %dma_start3A_3 = tpu.memref_slice %arg3[%dma_start3A_1, %dma_start3A_2] : memref<1000000x128xf32, #tpu.memory_space<hbm>> -> memref<1000000x128xf32, #tpu.memory_space<hbm>>
    tpu.enqueue_indirect_dma source(%dma_start3A_3 : memref<1000000x128xf32, #tpu.memory_space<hbm>>) target(%arg7 : memref<1x128xf32, #tpu.memory_space<vmem>>) offsets(%dma_start3A_0 : memref<1xi32, #tpu.memory_space<vmem>>) semaphore(%arg10 : memref<!tpu.dma_semaphore, #tpu.memory_space<semaphore_mem>>)
    %dma_start3A_4 = arith.constant 8 : i32
    %dma_start3A_5 = tpu.memref_slice %arg6[%dma_start3A_4] : memref<16xi32, #tpu.memory_space<vmem>> -> memref<1xi32, #tpu.memory_space<vmem>>
    %dma_start3A_6 = arith.constant 0 : i32
    %dma_start3A_7 = arith.constant 0 : i32
    %dma_start3A_8 = tpu.memref_slice %arg4[%dma_start3A_6, %dma_start3A_7] : memref<1000000x128xf32, #tpu.memory_space<hbm>> -> memref<1000000x128xf32, #tpu.memory_space<hbm>>
    tpu.enqueue_indirect_dma source(%dma_start3A_8 : memref<1000000x128xf32, #tpu.memory_space<hbm>>) target(%arg8 : memref<1x128xf32, #tpu.memory_space<vmem>>) offsets(%dma_start3A_5 : memref<1xi32, #tpu.memory_space<vmem>>) semaphore(%arg11 : memref<!tpu.dma_semaphore, #tpu.memory_space<semaphore_mem>>)
    %dma_wait3A = arith.constant 0 : i32
    %dma_wait3A_9 = tpu.memref_slice %arg6[%dma_wait3A] : memref<16xi32, #tpu.memory_space<vmem>> -> memref<1xi32, #tpu.memory_space<vmem>>
    %dma_wait3A_10 = arith.constant 0 : i32
    %dma_wait3A_11 = arith.constant 0 : i32
    %dma_wait3A_12 = tpu.memref_slice %arg3[%dma_wait3A_10, %dma_wait3A_11] : memref<1000000x128xf32, #tpu.memory_space<hbm>> -> memref<1000000x128xf32, #tpu.memory_space<hbm>>
    tpu.wait_indirect_dma semaphore(%arg10 : memref<!tpu.dma_semaphore, #tpu.memory_space<semaphore_mem>>) src(%dma_wait3A_12 : memref<1000000x128xf32, #tpu.memory_space<hbm>>) dst(%arg7 : memref<1x128xf32, #tpu.memory_space<vmem>>)
    %dma_wait3A_13 = arith.constant 8 : i32
    %dma_wait3A_14 = tpu.memref_slice %arg6[%dma_wait3A_13] : memref<16xi32, #tpu.memory_space<vmem>> -> memref<1xi32, #tpu.memory_space<vmem>>
    %dma_wait3A_15 = arith.constant 0 : i32
    %dma_wait3A_16 = arith.constant 0 : i32
    %dma_wait3A_17 = tpu.memref_slice %arg4[%dma_wait3A_15, %dma_wait3A_16] : memref<1000000x128xf32, #tpu.memory_space<hbm>> -> memref<1000000x128xf32, #tpu.memory_space<hbm>>
    tpu.wait_indirect_dma semaphore(%arg11 : memref<!tpu.dma_semaphore, #tpu.memory_space<semaphore_mem>>) src(%dma_wait3A_17 : memref<1000000x128xf32, #tpu.memory_space<hbm>>) dst(%arg8 : memref<1x128xf32, #tpu.memory_space<vmem>>)
    %broadcast_in_dim3A = arith.constant 0.000000e+00 : f32
    %broadcast_in_dim3A_18 = vector.broadcast %broadcast_in_dim3A : f32 to vector<16xf32>
    %get3A = arith.constant 0 : i32
    %get3A_19 = arith.index_cast %get3A : i32 to index
    %get3A_20 = arith.constant 0 : index
    %get3A_21 = tpu.vector_load %arg7[%get3A_19, %get3A_20] {strides = array<i32>} : memref<1x128xf32, #tpu.memory_space<vmem>>, vector<16xf32>,
    %get3A_22 = arith.constant 0 : i32
    %get3A_23 = arith.index_cast %get3A_22 : i32 to index
    %get3A_24 = arith.constant 0 : index
    %get3A_25 = tpu.vector_load %arg8[%get3A_23, %get3A_24] {strides = array<i32>} : memref<1x128xf32, #tpu.memory_space<vmem>>, vector<16xf32>,
    %mul3A = arith.mulf %get3A_21, %get3A_25 : vector<16xf32>
    %add3A = arith.addf %broadcast_in_dim3A_18, %mul3A : vector<16xf32>
    %get3A_26 = arith.constant 0 : i32
    %get3A_27 = arith.index_cast %get3A_26 : i32 to index
    %get3A_28 = arith.constant 16 : index
    %get3A_29 = tpu.vector_load %arg7[%get3A_27, %get3A_28] {strides = array<i32>} : memref<1x128xf32, #tpu.memory_space<vmem>>, vector<16xf32>,
    %get3A_30 = arith.constant 0 : i32
    %get3A_31 = arith.index_cast %get3A_30 : i32 to index
    %get3A_32 = arith.constant 16 : index
    %get3A_33 = tpu.vector_load %arg8[%get3A_31, %get3A_32] {strides = array<i32>} : memref<1x128xf32, #tpu.memory_space<vmem>>, vector<16xf32>,
    %mul3A_34 = arith.mulf %get3A_29, %get3A_33 : vector<16xf32>
    %add3A_35 = arith.addf %add3A, %mul3A_34 : vector<16xf32>
    %get3A_36 = arith.constant 0 : i32
    %get3A_37 = arith.index_cast %get3A_36 : i32 to index
    %get3A_38 = arith.constant 32 : index
    %get3A_39 = tpu.vector_load %arg7[%get3A_37, %get3A_38] {strides = array<i32>} : memref<1x128xf32, #tpu.memory_space<vmem>>, vector<16xf32>,
    %get3A_40 = arith.constant 0 : i32
    %get3A_41 = arith.index_cast %get3A_40 : i32 to index
    %get3A_42 = arith.constant 32 : index
    %get3A_43 = tpu.vector_load %arg8[%get3A_41, %get3A_42] {strides = array<i32>} : memref<1x128xf32, #tpu.memory_space<vmem>>, vector<16xf32>,
    %mul3A_44 = arith.mulf %get3A_39, %get3A_43 : vector<16xf32>
    %add3A_45 = arith.addf %add3A_35, %mul3A_44 : vector<16xf32>
    %get3A_46 = arith.constant 0 : i32
    %get3A_47 = arith.index_cast %get3A_46 : i32 to index
    %get3A_48 = arith.constant 48 : index
    %get3A_49 = tpu.vector_load %arg7[%get3A_47, %get3A_48] {strides = array<i32>} : memref<1x128xf32, #tpu.memory_space<vmem>>, vector<16xf32>,
    %get3A_50 = arith.constant 0 : i32
    %get3A_51 = arith.index_cast %get3A_50 : i32 to index
    %get3A_52 = arith.constant 48 : index
    %get3A_53 = tpu.vector_load %arg8[%get3A_51, %get3A_52] {strides = array<i32>} : memref<1x128xf32, #tpu.memory_space<vmem>>, vector<16xf32>,
    %mul3A_54 = arith.mulf %get3A_49, %get3A_53 : vector<16xf32>
    %add3A_55 = arith.addf %add3A_45, %mul3A_54 : vector<16xf32>
    %get3A_56 = arith.constant 0 : i32
    %get3A_57 = arith.index_cast %get3A_56 : i32 to index
    %get3A_58 = arith.constant 64 : index
    %get3A_59 = tpu.vector_load %arg7[%get3A_57, %get3A_58] {strides = array<i32>} : memref<1x128xf32, #tpu.memory_space<vmem>>, vector<16xf32>,
    %get3A_60 = arith.constant 0 : i32
    %get3A_61 = arith.index_cast %get3A_60 : i32 to index
    %get3A_62 = arith.constant 64 : index
    %get3A_63 = tpu.vector_load %arg8[%get3A_61, %get3A_62] {strides = array<i32>} : memref<1x128xf32, #tpu.memory_space<vmem>>, vector<16xf32>,
    %mul3A_64 = arith.mulf %get3A_59, %get3A_63 : vector<16xf32>
    %add3A_65 = arith.addf %add3A_55, %mul3A_64 : vector<16xf32>
    %get3A_66 = arith.constant 0 : i32
    %get3A_67 = arith.index_cast %get3A_66 : i32 to index
    %get3A_68 = arith.constant 80 : index
    %get3A_69 = tpu.vector_load %arg7[%get3A_67, %get3A_68] {strides = array<i32>} : memref<1x128xf32, #tpu.memory_space<vmem>>, vector<16xf32>,
    %get3A_70 = arith.constant 0 : i32
    %get3A_71 = arith.index_cast %get3A_70 : i32 to index
    %get3A_72 = arith.constant 80 : index
    %get3A_73 = tpu.vector_load %arg8[%get3A_71, %get3A_72] {strides = array<i32>} : memref<1x128xf32, #tpu.memory_space<vmem>>, vector<16xf32>,
    %mul3A_74 = arith.mulf %get3A_69, %get3A_73 : vector<16xf32>
    %add3A_75 = arith.addf %add3A_65, %mul3A_74 : vector<16xf32>
    %get3A_76 = arith.constant 0 : i32
    %get3A_77 = arith.index_cast %get3A_76 : i32 to index
    %get3A_78 = arith.constant 96 : index
    %get3A_79 = tpu.vector_load %arg7[%get3A_77, %get3A_78] {strides = array<i32>} : memref<1x128xf32, #tpu.memory_space<vmem>>, vector<16xf32>,
    %get3A_80 = arith.constant 0 : i32
    %get3A_81 = arith.index_cast %get3A_80 : i32 to index
    %get3A_82 = arith.constant 96 : index
    %get3A_83 = tpu.vector_load %arg8[%get3A_81, %get3A_82] {strides = array<i32>} : memref<1x128xf32, #tpu.memory_space<vmem>>, vector<16xf32>,
    %mul3A_84 = arith.mulf %get3A_79, %get3A_83 : vector<16xf32>
    %add3A_85 = arith.addf %add3A_75, %mul3A_84 : vector<16xf32>
    %get3A_86 = arith.constant 0 : i32
    %get3A_87 = arith.index_cast %get3A_86 : i32 to index
    %get3A_88 = arith.constant 112 : index
    %get3A_89 = tpu.vector_load %arg7[%get3A_87, %get3A_88] {strides = array<i32>} : memref<1x128xf32, #tpu.memory_space<vmem>>, vector<16xf32>,
    %get3A_90 = arith.constant 0 : i32
    %get3A_91 = arith.index_cast %get3A_90 : i32 to index
    %get3A_92 = arith.constant 112 : index
    %get3A_93 = tpu.vector_load %arg8[%get3A_91, %get3A_92] {strides = array<i32>} : memref<1x128xf32, #tpu.memory_space<vmem>>, vector<16xf32>,
    %mul3A_94 = arith.mulf %get3A_89, %get3A_93 : vector<16xf32>
    %add3A_95 = arith.addf %add3A_85, %mul3A_94 : vector<16xf32>
    %reduce_sum3A = arith.constant true
    %reduce_sum3A_96 = vector.broadcast %reduce_sum3A : i1 to vector<16xi1>
    %reduce_sum3A_97 = tpu.scan <sum>, %add3A_95 masked %reduce_sum3A_96 : vector<16xf32>, vector<16xi1> -> vector<16xf32>
    %reduce_sum3A_98 = vector.extract %reduce_sum3A_97[15] : f32 from vector<16xf32>
    %broadcast_in_dim3A_99 = vector.broadcast %reduce_sum3A_98 : f32 to vector<16xf32>
    %neg3A = arith.constant 0.000000e+00 : f32
    %neg3A_100 = vector.broadcast %neg3A : f32 to vector<16xf32>
    %neg3A_101 = arith.subf %neg3A_100, %broadcast_in_dim3A_99 : vector<16xf32>
    %exp3A = math.exp %neg3A_101 : vector<16xf32>
    %add3A_102 = arith.constant 1.000000e+00 : f32
    %add3A_103 = vector.broadcast %add3A_102 : f32 to vector<16xf32>
    %add3A_104 = arith.addf %add3A_103, %exp3A : vector<16xf32>
    %div3A = arith.constant 1.000000e+00 : f32
    %div3A_105 = vector.broadcast %div3A : f32 to vector<16xf32>
    %div3A_106 = arith.divf %div3A_105, %add3A_104 : vector<16xf32>
    %swap3A = arith.constant 0 : index
    %swap3A_107 = tpu.vector_load %arg9[%swap3A] {strides = array<i32>} : memref<16xf32, #tpu.memory_space<vmem>>, vector<16xf32>,
    tpu.vector_store %arg9[%swap3A], %div3A_106 {strides = array<i32>} : memref<16xf32, #tpu.memory_space<vmem>>, vector<16xf32>,
    "tpu.region"() ({
      %run_scoped3A = tpu.sem_alloc : memref<!tpu.dma_semaphore, #tpu.memory_space<semaphore_mem>>
      tpu.enqueue_dma source(%arg9 : memref<16xf32, #tpu.memory_space<vmem>>) target(%arg5 : memref<16xf32, #tpu.memory_space<hbm>>) target_semaphore(%run_scoped3A : memref<!tpu.dma_semaphore, #tpu.memory_space<semaphore_mem>>)
      tpu.wait_dma2 semaphore(%run_scoped3A : memref<!tpu.dma_semaphore, #tpu.memory_space<semaphore_mem>>) src(%arg9 : memref<16xf32, #tpu.memory_space<vmem>>) dst(%arg5 : memref<16xf32, #tpu.memory_space<hbm>>)
      tpu.yield
    }) : () -> ()
    return
  }
}

</mosaic_0001>

<sc_bundles>
// kernel: kernel.3.cloned.1.call-start
scs
__scs_entry_jumppad:
0x0: {  	(pc) =	sbr.rel $0x88, $3  }
0x1: {  	(tag) =	ssettag $0x0;
	lr =	simm.s32 $0x1  }
0x2: {  	[smem:$0x3F9D] =	sst lr;
	_ =	strace $0xD0000000  }
0x3: {  	_ = 	snop  }
0x4: {  	_ = 	snop  }
0x5: {  	_ = 	snop  }
0x6: {  	_ = 	snop  }
0x7: {  	_ = 	snop  }
__scs_overlays_trampoline_lowered:
0x8: {  	[smem:$0x3FAC] =	sst s0  }
0x9: {  	[smem:$0x3FAD] =	sst s1  }
0xa: {  	[smem:$0x3FAE] =	sst s2  }
0xb: {  	[smem:$0x3FAF] =	sst s3  }
0xc: {  	[smem:$0x3FB0] =	sst s4  }
0xd: {  	[smem:$0x3FB1] =	sst s5  }
0xe: {  	[smem:$0x3FB2] =	sst s6  }
0xf: {  	[smem:$0x3FB3] =	sst s7  }
0x10: {  	[smem:$0x3FB4] =	sst s8  }
0x11: {  	[smem:$0x3FB5] =	sst s9;
	s0 =	simm.s32 @!p0 $0x0  }
0x12: {  	s1 =	sld [smem:$0x3F9B];
	s0 =	simm.s32 @p0 $0x1  }
0x13: {  	[smem:$0x3FB6] =	sst s0;
	s0 =	simm.s32 @!p1 $0x0  }
0x14: {  	s2 =	sld [smem:$0x3F9A];
	s0 =	simm.s32 @p1 $0x1  }
0x15: {  	[smem:$0x3FB7] =	sst s0;
	s0 =	simm.s32 @!p2 $0x0  }
0x16: {  	s3 =	sld [smem:$0x3FDB];
	s0 =	simm.s32 @p2 $0x1  }
0x17: {  	s4 =	simm.s32 $0x1BF5;
	[smem:$0x3FB9] =	sst s0  }
0x18: {  	s0 =	sld [smem:$0x3F9C];
	_ =	swait.ge [sflag:s4], $0x0  }
0x19: {  	s7 =	sld [smem:$0x3F9D]  }
0x1a: {  	s8 =	sadd.s32 $0xFFFFE003, lr  }
0x1b: {  	s9 =	sadd.s32 $0xFFFFFEF7, lr;
	s5 =	simm.s32 $0xFFFFFFFF;
	p2 =	slt.u32 s8, $0xFFFFF086  }
0x1c: {  	p1 =	slt.u32 s9, $0xF7A;
	s5 =	simm.s32 @!p2 $0x0  }
0x1d: {  	s5 =	simm.s32 @p1 $0x1;
	p0 =	seq.s32 s7, s2  }
0x1e: {  	s7 =	smul.u32 @!p0 $0xF7A, s2;
	p2 =	seq.s32 @!p0 s5, $0x0  }
0x1f: {  	s9 =	smul.u32 $0xF7A, s1;
	s8 =	simm.s32 @!p0 $0x1BF5;
	p2 =	por !p2, p0  }
0x20: {  	[sflag:s8] =	ssyncset.s32 @!p0 $0xFFFFF086;
	s6 =	sadd.s32 @!p0 s3, s7;
	s7 =	simm.s32 @!p0 $0x108  }
0x21: {  	s3 =	sadd.s32 s3, s9;
	s6 =	sadd.s32 @!p0 $0x88, s6;
	s7 =	simm.s32 @p2 $0x1082  }
0x22: {  	[simem:s7], [sflag:s8] =	dma.local @!p0 [hbm:s6], $0xF7A  }
0x23: {  	s9 =	sor.u32 $0xD0000000, s2;
	s6 =	simm.s32 $0x108;
	_ =	swait.ge @!p0 [sflag:s8], $0x0  }
0x24: {  	s3 =	sadd.s32 $0x88, s3;
	s6 =	simm.s32 @!p1 $0x1082;
	[sflag:s4] =	ssyncset.s32 $0xFFFFF086  }
0x25: {  	[simem:s6], [sflag:s4] =	dma.local [hbm:s3], $0xF7A  }
0x26: {  	[smem:$0x3F9D] =	sst s1;
	(tag) =	ssettag s2;
	_ =	strace s9  }
0x27: {  	s1 =	sld [smem:$0x3FAD]  }
0x28: {  	s2 =	sld [smem:$0x3FAE]  }
0x29: {  	s4 =	sld [smem:$0x3FB0]  }
0x2a: {  	p0 =	seq.s32 s5, $0x0;
	s5 =	sld [smem:$0x3FB1]  }
0x2b: {  	s6 =	sld [smem:$0x3FB2]  }
0x2c: {  	s7 =	sld [smem:$0x3FB3]  }
0x2d: {  	s3 =	simm.s32 $0x108;
	s8 =	sld [smem:$0x3FB4]  }
0x2e: {  	s3 =	simm.s32 @!p0 $0x1082;
	s9 =	sld [smem:$0x3FB5]  }
0x2f: {  	lr =	sadd.s32 s0, s3;
	s0 =	sld [smem:$0x3FAC]  }
0x30: {  	s3 =	sld [smem:$0x3FAF]  }
0x31: {  	[smem:$0x3FB8] =	sst s10  }
0x32: {  	s10 =	sld [smem:$0x3FB6];
	_ =	sdelay $0x3  }
0x33: {  	p0 =	seq.s32 s10, $0x1;
	s10 =	sld [smem:$0x3FB8];
	_ =	sdelay $0x3  }
0x34: {  	[smem:$0x3FB8] =	sst s10  }
0x35: {  	s10 =	sld [smem:$0x3FB7];
	_ =	sdelay $0x3  }
0x36: {  	p1 =	seq.s32 s10, $0x1;
	s10 =	sld [smem:$0x3FB8];
	_ =	sdelay $0x3  }
0x37: {  	[smem:$0x3FB8] =	sst s10  }
0x38: {  	s10 =	sld [smem:$0x3FB9]  }
0x39: {  	_ = 	snop;
	(pc) =	sbr.ind lr, $3  }
0x3a: {  	_ = 	snop  }
0x3b: {  	_ = 	snop  }
0x3c: {  	p2 =	seq.s32 s10, $0x1;
	s10 =	sld [smem:$0x3FB8]  }
0x3d: {  	_ =	shalt  }
0x3e: {  	_ =	shalt  }
0x3f: {  	_ =	shalt  }
0x40: {  	_ =	shalt  }
0x41: {  	_ =	shalt  }
0x42: {  	_ =	shalt  }
0x43: {  	_ =	shalt  }
0x44: {  	_ =	shalt  }
0x45: {  	_ =	shalt  }
0x46: {  	_ =	shalt  }
0x47: {  	_ =	shalt  }
0x48: {  	_ =	shalt  }
0x49: {  	_ =	shalt  }
0x4a: {  	_ =	shalt  }
0x4b: {  	_ =	shalt  }
0x4c: {  	_ =	shalt  }
0x4d: {  	_ =	shalt  }
0x4e: {  	_ =	shalt  }
0x4f: {  	_ =	shalt  }
0x50: {  	_ =	shalt  }
0x51: {  	_ =	shalt  }
0x52: {  	_ =	shalt  }
0x53: {  	_ =	shalt  }
0x54: {  	_ =	shalt  }
0x55: {  	_ =	shalt  }
0x56: {  	_ =	shalt  }
0x57: {  	_ =	shalt  }
0x58: {  	_ =	shalt  }
0x59: {  	_ =	shalt  }
0x5a: {  	_ =	shalt  }
0x5b: {  	_ =	shalt  }
0x5c: {  	_ =	shalt  }
0x5d: {  	_ =	shalt  }
0x5e: {  	_ =	shalt  }
0x5f: {  	_ =	shalt  }
0x60: {  	_ =	shalt  }
0x61: {  	_ =	shalt  }
0x62: {  	_ =	shalt  }
0x63: {  	_ =	shalt  }
0x64: {  	_ =	shalt  }
0x65: {  	_ =	shalt  }
0x66: {  	_ =	shalt  }
0x67: {  	_ =	shalt  }
0x68: {  	_ =	shalt  }
0x69: {  	_ =	shalt  }
0x6a: {  	_ =	shalt  }
0x6b: {  	_ =	shalt  }
0x6c: {  	_ =	shalt  }
0x6d: {  	_ =	shalt  }
0x6e: {  	_ =	shalt  }
0x6f: {  	_ =	shalt  }
0x70: {  	_ =	shalt  }
0x71: {  	_ =	shalt  }
0x72: {  	_ =	shalt  }
0x73: {  	_ =	shalt  }
0x74: {  	_ =	shalt  }
0x75: {  	_ =	shalt  }
0x76: {  	_ =	shalt  }
0x77: {  	_ =	shalt  }
0x78: {  	_ =	shalt  }
0x79: {  	_ =	shalt  }
0x7a: {  	_ =	shalt  }
0x7b: {  	_ =	shalt  }
0x7c: {  	_ =	shalt  }
0x7d: {  	_ =	shalt  }
0x7e: {  	_ =	shalt  }
0x7f: {  	_ =	shalt  }
0x80: {  	_ =	shalt  }
0x81: {  	_ =	shalt  }
0x82: {  	_ =	shalt  }
0x83: {  	_ =	shalt  }
0x84: {  	_ =	shalt  }
0x85: {  	_ =	shalt  }
0x86: {  	_ =	shalt  }
0x87: {  	_ =	shalt  }
.Lfunc_end0:
.L_simem_size_0:
called_computation_lowered:
.L_overlay_start_0:
0x88: {  	s0 =	sld [smem:$0x3FD9]  }
0x89: {  	s1 =	sld [smem:$0x3FFE];
	_ =	sdelay $0x3  }
0x8a: {  	s0 =	sadd.s32 s1, s0  }
0x8b: {  	[smem:$0x3FC4] =	sst s0  }
0x8c: {  	_ = 	snop  }
0x8d: {  	s0 =	sld [smem:$0x3FC7]  }
0x8e: {  	s16 =	sld [smem:$0x3FC6]  }
0x8f: {  	s2 =	sld [smem:$0x3FD0];
	(tm) =	ssettm $0x1  }
0x90: {  	s3 =	sld [smem:$0x3FFB];
	_ =	sdelay $0x3  }
0x91: {  	_ =	strace s3  }
0x92: {  	s3 =	sld [smem:$0x3FFC];
	_ =	sdelay $0x3  }
0x93: {  	_ =	strace s3  }
0x94: {  	s3 =	sld [smem:$0x3FFD];
	_ =	sdelay $0x3  }
0x95: {  	_ =	strace s3  }
0x96: {  	_ =	strace $0x8FFFFFFF  }
0x97: {  	s17 =	sld [smem:$0x3FDB];
	_ =	sdelay $0x1  }
0x98: {  	s4 =	simm.s32 $_scs_section_size  }
0x99: {  	s5 =	simm.s32 $_size__tile_overlayer_lowered;
	s6 =	simm.s32 $_tile_overlayer_lowered  }
0x9a: {  	s20 =	simm.s32 $0x1BFF;
	s19 =	sshll.u32 s6, $0x1;
	s3 =	sadd.s32 s4, s17  }
0x9b: {  	s7 =	simm.s32 $0x0;
	s18 =	sshll.u32 s5, $0x1;
	s5 =	sadd.s32 s19, s3  }
0x9c: {  	[timem:s7], [sflag:s20] =	dma.local [hbm:s5], s18  }
0x9d: {  	_ =	swait.ge [sflag:s20], s18  }
0x9e: {  	s4 =	ssub.s32 $0x0, s18;
	[sflag:s20] =	ssyncset.done $0x0  }
0x9f: {  	[sflag:s20] =	ssyncadd.s32 s4;
	_ =	sdelay $0x1  }
0xa0: {  	s21 =	simm.s32 $0x1B8B  }
0xa1: {  	_ =	swait.ge [sflag:s21], $0x1  }
0xa2: {  	[sflag:s21] =	ssyncset.done $0x0  }
0xa3: {  	s23 =	simm.s32 $0x1B8E;
	s22 =	sld [smem:$0x3FFE];
	[sflag:s21] =	ssyncadd.s32 $0xFFFFFFFF  }
0xa4: {  	s24 =	simm.s32 $execute0_lowered;
	[smem:$0x3FD2] =	sst s23  }
0xa5: {  	s5 =	sshll.u32 s24, $0x1;
	_ =	strace $0x80000046;
	[dreg:$0x1] =	wrdreg $0xFFFFFFFF  }
0xa6: {  	s25 =	simm.s32 $_size_execute0_lowered;
	s3 =	sadd.s32 s3, s5;
	[dreg:$0x0] =	wrdreg $0x0  }
0xa7: {  	s5 =	sshll.u32 s25, $0x1;
	[dreg:$0x2] =	wrdreg s3  }
0xa8: {  	[dreg:$0x3] =	wrdreg s5  }
0xa9: {  	[dreg:$0x4] =	wrdreg $0xC0  }
0xaa: {  	_ =	task [dreg:s7], $0x5FFFF  }
0xab: {  	[dreg:$0x1] =	wrdreg $0xFFFFFFFF  }
0xac: {  	[dreg:$0x0] =	wrdreg $0x60  }
0xad: {  	[dreg:$0x2] =	wrdreg s22  }
0xae: {  	[dreg:$0x3] =	wrdreg s0  }
0xaf: {  	[dreg:$0x4] =	wrdreg s16  }
0xb0: {  	[dreg:$0x5] =	wrdreg s2  }
0xb1: {  	[dreg:$0x6] =	wrdreg $0x9  }
0xb2: {  	_ =	task.clear_ibuf [dreg:s7], $0x7FFFF;
	_ =	strace $0x90000046  }
0xb3: {  	s26 =	simm.s32 $0x9;
	_ =	strace $0x80000048  }
0xb4: {  	_ =	swait.ge [sflag:s26], $0x1  }
0xb5: {  	[sflag:s26] =	ssyncadd.s32 $0xFFFFFFFF  }
0xb6: {  	_ =	strace $0x90000048  }
0xb7: {  	_ =	sfence  }
0xb8: {  	s28 =	sld [smem:$0x0];
	_ =	sdelay $0x1  }
0xb9: {  	s29 =	srdreg.scid  }
0xba: {  	s30 =	sshll.u32 s29, $0xD;
	s31 =	sshrl.u32 s29, $0x2  }
0xbb: {  	s1 =	sand.u32 $0x1, s29;
	s2 =	sand.u32 $0x4000, s30;
	s0 =	sadd.s32 s31, s28  }
0xbc: {  	s1 =	sor.u32 s2, s1;
	s0 =	sshll.u32 s0, $0x11  }
0xbd: {  	s0 =	sor.u32 s0, s1  }
0xbe: {  	s0 =	sadd.s32 $0x8F2B, s0  }
0xbf: {  	[sflag:s0] =	ssyncadd.remote.s32 $0x1  }
0xc0: {  	_ =	sfence.sel $0xFFFF  }
0xc1: {  	[dreg:$0x0] =	wrdreg $0xFFFFFFFF;
	(pc) =	sbr.abs _section_cstart, $3  }
0xc2: {  	[dreg:$0x1] =	wrdreg $0xFFFFFFFF  }
0xc3: {  	_ =	task.clear_ibuf [dreg:s7], $0x2FFFF;
	_ =	strace $0x9FFFFFFF  }
0xc4: {  	(tm) =	ssettm $0x7FFFFFFF  }
0xc5: {  	_ =	shalt  }
tec
execute0_lowered:
.L_overlay_start_1:
0x0: {  	(tag) =	ssettag $0x1  }
0x1: {  	s5 =	stileid.u32  }
0x2: {  	p0 =	sne.s32 s5, $0x0  }
.Ltmp0:
0x3: {  	s4 =	rddreg [dreg:$0x0];
	(pc) =	sbr.rel @p0 .LBB2_2-.Ltmp0, $4  }
0x4: {  	s3 =	rddreg [dreg:$0x1]  }
0x5: {  	s2 =	rddreg [dreg:$0x2]  }
0x6: {  	s1 =	rddreg [dreg:$0x3]  }
0x7: {  	s0 =	rddreg [dreg:$0x4];
	_ =	strace $0x80000047  }
0x8: {  	s4 =	sadd.s32 $0x600, s4;
	s5 =	simm.s32 $0x0;
	s25 =	simm.s32 $0x1  }
0x9: {  	[tilespmem:s5], [sflag:$0x1] =	stream.linear.gather [hbm4b:s4+s5], $0x80, $0x38;
	[tilespmem:$0x200] =	vst v63  }
0xa: {  	_ =	swait.ge [sflag:s25], $0x80  }
0xb: {  	[sflag:s25] =	ssyncset.done $0x0  }
0xc: {  	s6 =	simm.s32 $0x80;
	[sflag:s25] =	ssyncadd.s32 $0xFFFFFF80  }
0xd: {  	[tilespmem:s6], [sflag:$0x1] =	stream.indirect.gather [hbm4b:s3+s25], $0x80, s5, s25, $0xb8;
	[tilespmem:$0x200] =	vst v63  }
0xe: {  	s26 =	simm.s32 $0x8;
	s28 =	simm.s32 $0x100  }
0xf: {  	[tilespmem:s28], [sflag:$0x2] =	stream.indirect.gather [hbm4b:s2+s25], $0x80, s26, s25, $0xb8;
	[tilespmem:$0x200] =	vst v63  }
0x10: {  	_ =	swait.ge [sflag:s25], $0x80  }
0x11: {  	[sflag:s25] =	ssyncset.done $0x0  }
0x12: {  	s29 =	simm.s32 $0x2;
	[sflag:s25] =	ssyncadd.s32 $0xFFFFFF80  }
0x13: {  	_ =	swait.ge [sflag:s29], $0x80  }
0x14: {  	[sflag:s29] =	ssyncset.done $0x0  }
0x15: {  	[sflag:s29] =	ssyncadd.s32 $0xFFFFFF80  }
0x16: {  	v0 =	vld [tilespmem:$0x80]  }
0x17: {  	v1 =	vld [tilespmem:$0x100]  }
0x18: {  	v2 =	vld [tilespmem:$0x90]  }
0x19: {  	v3 =	vld [tilespmem:$0x110]  }
0x1a: {  	v4 =	vld [tilespmem:$0xA0]  }
0x1b: {  	v5 =	vld [tilespmem:$0x120]  }
0x1c: {  	v51 =	vld [tilespmem:$0xB0];
	v0 =	vmul.f32 v1, v0  }
0x1d: {  	v6 =	vld [tilespmem:$0x130]  }
0x1e: {  	v52 =	vld [tilespmem:$0xC0];
	v2 =	vmul.f32 v3, v2;
	v0 =	vadd.f32 $0.0e+00, v0  }
0x1f: {  	v7 =	vld [tilespmem:$0x140]  }
0x20: {  	v54 =	vld [tilespmem:$0xD0];
	v53 =	vmul.f32 v5, v4;
	v0 =	vadd.f32 v2, v0  }
0x21: {  	v55 =	vld [tilespmem:$0x150]  }
0x22: {  	v56 =	vld [tilespmem:$0xE0];
	v1 =	vmul.f32 v6, v51;
	v0 =	vadd.f32 v53, v0  }
0x23: {  	v57 =	vld [tilespmem:$0x160]  }
0x24: {  	v59 =	vld [tilespmem:$0xF0];
	v58 =	vmul.f32 v7, v52;
	v0 =	vadd.f32 v1, v0  }
0x25: {  	v60 =	vld [tilespmem:$0x170]  }
0x26: {  	v61 =	vmul.f32 v55, v54;
	v0 =	vadd.f32 v58, v0;
	_ =	sdelay $0x1  }
0x27: {  	v62 =	vmul.f32 v57, v56;
	v0 =	vadd.f32 v61, v0;
	_ =	sdelay $0x1  }
0x28: {  	v63 =	vmul.f32 v60, v59;
	v0 =	vadd.f32 v62, v0;
	_ =	sdelay $0x1  }
0x29: {  	v0 =	vadd.f32 v63, v0;
	_ =	sdelay $0x1  }
0x2a: {  	(xrf2) =	vadd.scan.msk.f32 $0xffff, v0;
	_ =	sdelay $0x9  }
0x2b: {  	v0, _, _ =	vpop (xrf2)  }
0x2c: {  	v0 =	vsub.f32 $0.0e+00, v0;
	_ =	sdelay $0x1  }
0x2d: {  	v0 =	vmul.f32 $1.442695020e+00, v0;
	_ =	sdelay $0x1  }
0x2e: {  	v0 =	vbroadcast v0, $0xF;
	_ =	sdelay $0x1  }
0x2f: {  	(erf) = vpow2.f32 v0;
	_ =	sdelay $0x8  }
0x30: {  	v0 =	vpop (erf)  }
0x31: {  	v0 =	vadd.f32 $1.000000000e+00, v0;
	_ =	sdelay $0x1  }
0x32: {  	(erf) = vrcp.f32 v0;
	_ =	sdelay $0x8  }
0x33: {  	v0 =	vpop (erf)  }
0x34: {  	s30 =	simm.s32 $0x180;
	s31 =	simm.s32 $0x3;
	[tilespmem:$0x180] =	vst v0  }
0x35: {  	[hbm4b:s1+s5] =	stream.linear.scatter [tilespmem:s30], [sflag:$0x3], $0x80, $0x38;
	[tilespmem:$0x200] =	vst v63  }
0x36: {  	_ =	swait.ge [sflag:s31], $0x80  }
0x37: {  	[sflag:s31] =	ssyncset.done $0x0  }
0x38: {  	[sflag:s31] =	ssyncadd.s32 $0xFFFFFF80  }
.LBB2_2:
0x39: {  	_ =	sfence.sel $0x180000  }
0x3a: {  	[bflag:$0x0] =	sbarrier.arrive $0xFFFF  }
0x3b: {  	_ =	strace $0x90000047  }
0x3c: {  	s0 =	sadd.s32 @!p0 $0x100000, s0;
	[bflag:$0x2] =	sbarrier.arrive $0xFFFF  }
0x3d: {  	[sflag:s0] =	ssyncadd.tile.s32 @!p0 $0x1;
	_ =	shalt  }
.Lfunc_end2:
_tile_overlayer_lowered:
.L_overlay_start_2:
0x3e: {  	(tag) =	ssettag $0x2  }
0x3f: {  	s0 =	rddreg [dreg:$0x0];
	s2 =	stileid.u32  }
0x40: {  	s1 =	rddreg [dreg:$0x1];
	p0 =	sne.s32 s2, $0x0  }
0x41: {  	s3 =	rddreg [dreg:$0x2];
	[bflag:$0x3] =	sbarrier.arrive $0xFFFF;
	s2 =	simm.s32 @!p0 $0x1C03  }
0x42: {  	[timem:s3], [sflag:s2] =	dma.local @!p0 [hbm:s0], s1  }
0x43: {  	s0 =	simm.s32 @!p0 $0x3  }
0x44: {  	_ =	swait.ge @!p0 [sflag:s0], s1  }
0x45: {  	s1 =	ssub.s32 @!p0 $0x0, s1;
	[sflag:s0] =	ssyncset.done @!p0 $0x0  }
0x46: {  	[sflag:s0] =	ssyncadd.s32 @!p0 s1  }
0x47: {  	[bflag:$0x3] =	sbarrier.arrive $0xFFFF  }
0x48: {  	_ =	shalt  }

</sc_bundles>
